<compile_context>
chip_gen: v7x
topology: tpu7x:2x2x1
jax: 0.10.2.dev20260603
libtpu: 0.0.44.dev20260713+nightly
codegen_flags: <defaults>
</compile_context>

<pallas_src>
import functools

import jax
import jax.numpy as jnp
from jax import lax
from jax.experimental import pallas as pl
from jax.experimental.pallas import tpu as pltpu
from jax.experimental.pallas import tpu_sc as plsc

EPS = 1e-4
N_NODES = 10000
D = 128

NC, NS = 2, 16
NW = NC * NS
CHUNK = 128
AGG_ROWS = 10240
ROWS_PER_TILE = AGG_ROWS // NS


def _seg_sum_sc(x, idx_pairs, zeros_hbm):
    n_chunks = idx_pairs.shape[1]
    mesh = plsc.VectorSubcoreMesh(core_axis_name="c", subcore_axis_name="s")

    @functools.partial(
        pl.kernel,
        out_type=jax.ShapeDtypeStruct((NC, AGG_ROWS, D), jnp.float32),
        mesh=mesh,
        scratch_types=[
            pltpu.VMEM((2, CHUNK), jnp.int32),
            pltpu.VMEM((CHUNK, D), jnp.float32),
            pltpu.VMEM_SHARED((AGG_ROWS, D), jnp.float32),
            pltpu.SemaphoreType.DMA,
        ],
    )
    def seg_kernel(x_hbm, idx_hbm, zero_hbm, out_hbm,
                   idx_v, rows_v, agg_sh, sem):
        c = lax.axis_index("c")
        s = lax.axis_index("s")
        wid = c * NS + s
        pltpu.sync_copy(zero_hbm,
                        agg_sh.at[pl.ds(s * ROWS_PER_TILE, ROWS_PER_TILE)])
        plsc.subcore_barrier()

        def body(j, carry):
            pltpu.sync_copy(idx_hbm.at[wid, j], idx_v)
            pltpu.async_copy(x_hbm.at[idx_v.at[0]], rows_v, sem).wait()
            pltpu.sync_copy(rows_v, agg_sh.at[idx_v.at[1]], add=True)
            return carry

        lax.fori_loop(0, n_chunks, body, 0)
        plsc.subcore_barrier()
        pltpu.sync_copy(agg_sh.at[pl.ds(s * ROWS_PER_TILE, ROWS_PER_TILE)],
                        out_hbm.at[c, pl.ds(s * ROWS_PER_TILE, ROWS_PER_TILE)])

    return seg_kernel(x, idx_pairs, zeros_hbm)


def _softplus(x):
    return jnp.maximum(x, 0.0) + jnp.log1p(jnp.exp(-jnp.abs(x)))


def _gelu(x):
    return 0.5 * x * (1.0 + lax.erf(x * 0.7071067811865476))


def _ln(x, g, b):
    m = jnp.mean(x, axis=-1, keepdims=True)
    v = jnp.mean((x - m) * (x - m), axis=-1, keepdims=True)
    return (x - m) * lax.rsqrt(v + 1e-5) * g + b


def _matT(x, w):
    return lax.dot_general(x, w, (((1,), (1,)), ((), ())),
                           preferred_element_type=jnp.float32)


_BLK = 1000


def _prelude_body(x_ref, wr_ref, br_ref, w1_ref, b1_ref, w2_ref, b2_ref,
                  grb_ref, brb_ref, gn_ref, bn_ref,
                  rate_ref, gamma_ref, xres_ref):
    x = x_ref[...]
    xres_ref[...] = _ln(x, gn_ref[...], bn_ref[...])
    rate_ref[...] = _softplus(_matT(x, wr_ref[...]) + br_ref[...])
    t = _softplus(_matT(x, w1_ref[...]) + b1_ref[...])
    gamma_ref[...] = _ln(_matT(t, w2_ref[...]) + b2_ref[...],
                         grb_ref[...], brb_ref[...])


def _prelude_tc(x, wr, br, w1, b1, w2, b2, grb, brb, gn, bn):
    n = x.shape[0]
    grid = (n // _BLK,)
    row_spec = pl.BlockSpec((_BLK, D), lambda i: (i, 0))
    w_spec = pl.BlockSpec((D, D), lambda i: (0, 0))
    v_spec = pl.BlockSpec((1, D), lambda i: (0, 0))
    shp = jax.ShapeDtypeStruct((n, D), jnp.float32)
    return pl.pallas_call(
        _prelude_body,
        grid=grid,
        in_specs=[row_spec,
                  w_spec, v_spec, w_spec, v_spec, w_spec, v_spec,
                  v_spec, v_spec, v_spec, v_spec],
        out_specs=[row_spec, row_spec, row_spec],
        out_shape=[shp, shp, shp],
    )(x, wr, br, w1, b1, w2, b2, grb, brb, gn, bn)


def _post_body(rate_ref, gamma_ref, xres_ref, a0_ref, a1_ref, deg_ref,
               wf1_ref, bf1_ref, wf2_ref, bf2_ref, out_ref):
    rate = rate_ref[...]
    agg = a0_ref[...] + a1_ref[...]
    h = (rate * agg + gamma_ref[...]) / (1.0 + rate * deg_ref[...] + EPS)
    u = _gelu(_matT(h, wf1_ref[...]) + bf1_ref[...])
    out_ref[...] = _matT(u, wf2_ref[...]) + bf2_ref[...] + xres_ref[...]


def _post_tc(rate, gamma, xres, agg0, agg1, deg2d, wf1, bf1, wf2, bf2):
    n = rate.shape[0]
    grid = (n // _BLK,)
    row_spec = pl.BlockSpec((_BLK, D), lambda i: (i, 0))
    deg_spec = pl.BlockSpec((_BLK, 1), lambda i: (i, 0))
    w_spec = pl.BlockSpec((D, D), lambda i: (0, 0))
    v_spec = pl.BlockSpec((1, D), lambda i: (0, 0))
    return pl.pallas_call(
        _post_body,
        grid=grid,
        in_specs=[row_spec, row_spec, row_spec, row_spec, row_spec,
                  deg_spec, w_spec, v_spec, w_spec, v_spec],
        out_specs=row_spec,
        out_shape=jax.ShapeDtypeStruct((n, D), jnp.float32),
    )(rate, gamma, xres, agg0, agg1, deg2d, wf1, bf1, wf2, bf2)


def kernel(x, edge_index, degree, W_rate, b_rate, W_rb1, b_rb1, W_rb2, b_rb2,
           g_rb, beta_rb, W_fc1, b_fc1, W_fc2, b_fc2, g_norm, beta_norm):
    e = edge_index.shape[1]
    quantum = NW * CHUNK
    e_pad = ((e + quantum - 1) // quantum) * quantum
    pad = e_pad - e
    src_p = jnp.concatenate(
        [edge_index[0], jnp.zeros((pad,), jnp.int32)]) if pad else edge_index[0]
    dst_p = jnp.concatenate(
        [edge_index[1], jnp.full((pad,), N_NODES, jnp.int32)]) if pad else edge_index[1]
    n_chunks = e_pad // quantum
    idx_pairs = jnp.stack(
        [src_p.reshape(NW, n_chunks, CHUNK),
         dst_p.reshape(NW, n_chunks, CHUNK)], axis=2)
    zeros_hbm = jnp.zeros((ROWS_PER_TILE, D), jnp.float32)

    agg = _seg_sum_sc(x, idx_pairs, zeros_hbm)

    deg2d = degree[:, None]
    vec = lambda a: a.reshape(1, D)
    rate, gamma, xres = _prelude_tc(
        x, W_rate, vec(b_rate), W_rb1, vec(b_rb1), W_rb2, vec(b_rb2),
        vec(g_rb), vec(beta_rb), vec(g_norm), vec(beta_norm))
    out = _post_tc(rate, gamma, xres, agg[0, :N_NODES], agg[1, :N_NODES],
                   deg2d, W_fc1, vec(b_fc1), W_fc2, vec(b_fc2))
    return out

# --- scband reference (transcript-rebuilt; emitter-appended) ---
"""Pipeline reference for scband-boundary-conv-layer-88983132439348 (READ-ONLY COPY).

The authoritative reference and input builder live on the scoring server;
editing this copy changes nothing except your own understanding.
"""

import jax, jax.numpy as jnp
import numpy as np

EPS = 1e-4
N, D, H, E = 10000, 128, 128, 320000

def _layer_norm(x, g, b, eps=1e-5):
    m = jnp.mean(x, axis=-1, keepdims=True)
    v = jnp.var(x, axis=-1, keepdims=True)
    return (x - m) / jnp.sqrt(v + eps) * g + b

def setup_inputs(seed: int = 0):
    key = jax.random.key(seed)
    ks = jax.random.split(key, 20)
    x = jax.random.normal(ks[0], (N, D), dtype=jnp.float32)
    edge_index = jax.random.randint(ks[1], (2, E), 0, N, dtype=jnp.int32)
    degree = jax.random.uniform(ks[2], (N,), dtype=jnp.float32) * 64.0
    s = 0.05
    return {
        'x': x,
        'edge_index': edge_index,
        'degree': degree,
        'W_rate': jax.random.normal(ks[3], (D, D), jnp.float32) * s,
        'b_rate': jnp.zeros((D,), jnp.float32),
        'W_rb1': jax.random.normal(ks[4], (H, D), jnp.float32) * s,
        'b_rb1': jnp.zeros((H,), jnp.float32),
        'W_rb2': jax.random.normal(ks[5], (D, H), jnp.float32) * s,
        'b_rb2': jnp.zeros((D,), jnp.float32),
        'g_rb': jnp.ones((D,), jnp.float32),
        'beta_rb': jnp.zeros((D,), jnp.float32),
        'W_fc1': jax.random.normal(ks[6], (H, D), jnp.float32) * s,
        'b_fc1': jnp.zeros((H,), jnp.float32),
        'W_fc2': jax.random.normal(ks[7], (D, H), jnp.float32) * s,
        'b_fc2': jnp.zeros((D,), jnp.float32),
        'g_norm': jnp.ones((D,), jnp.float32),
        'beta_norm': jnp.zeros((D,), jnp.float32),
    }

def reference(x, edge_index, degree, W_rate, b_rate, W_rb1, b_rb1, W_rb2, b_rb2, g_rb, beta_rb, W_fc1, b_fc1, W_fc2, b_fc2, g_norm, beta_norm):
    x_res = _layer_norm(x, g_norm, beta_norm)
    rate = jax.nn.softplus(x @ W_rate.T + b_rate)
    gamma = _layer_norm(jax.nn.softplus(x @ W_rb1.T + b_rb1) @ W_rb2.T + b_rb2, g_rb, beta_rb)
    src, dst = edge_index[0], edge_index[1]
    agg = jax.ops.segment_sum(x[src], dst, num_segments=x.shape[0])
    h = (rate * agg + gamma) / (1.0 + rate * degree[:, None] + EPS)
    out = jax.nn.gelu(h @ W_fc1.T + b_fc1, approximate=False) @ W_fc2.T + b_fc2 + x_res
    return out

if __name__ == "__main__":
    import jax
    _d = setup_inputs()
    print(jax.jit(kernel)(*tuple(_d.values())))

</pallas_src>

<mosaic_0001>
#map = affine_map<(d0, d1) -> (0, 0)>
#map1 = affine_map<(d0, d1) -> (0, 0, 0, 0)>
#map2 = affine_map<(d0, d1) -> (0, 0, 0)>
module attributes {stable_mosaic.version = 14 : i64} {
  func.func @seg_kernel(%arg0: i32, %arg1: i32, %arg2: memref<10000x128xf32, #tpu.memory_space<hbm>>, %arg3: memref<32x79x2x128xi32, #tpu.memory_space<hbm>>, %arg4: memref<640x128xf32, #tpu.memory_space<hbm>>, %arg5: memref<2x10240x128xf32, #tpu.memory_space<hbm>>, %arg6: memref<2x128xi32, #tpu.memory_space<vmem>>, %arg7: memref<128x128xf32, #tpu.memory_space<vmem>>, %arg8: memref<10240x128xf32, #tpu.memory_space<vmem_shared>>, %arg9: memref<!tpu.dma_semaphore, #tpu.memory_space<semaphore_mem>>) attributes {dimension_semantics = [#tpu.dimension_semantics<core_parallel>, #tpu.dimension_semantics<subcore_parallel>], iteration_bounds = array<i64: 2, 16>, scalar_prefetch = 0 : i64, scratch_operands = 4 : i64, tpu.core_type = #tpu.core_type<sc_vector_subcore>, window_params = [{transform_indices = #map}, {transform_indices = #map1}, {transform_indices = #map}, {transform_indices = #map2}]} {
    %mul3A = arith.constant 16 : i32
    %mul3A_0 = arith.muli %arg0, %mul3A : i32
    %add3A = arith.addi %mul3A_0, %arg1 : i32
    %mul3A_1 = arith.constant 640 : i32
    %mul3A_2 = arith.muli %arg1, %mul3A_1 : i32
    "tpu.region"() ({
      %run_scoped3A = tpu.sem_alloc : memref<!tpu.dma_semaphore, #tpu.memory_space<semaphore_mem>>
      %dma_start3A = arith.constant 0 : i32
      %dma_start3A_13 = tpu.memref_slice %arg8[%mul3A_2, %dma_start3A] : memref<10240x128xf32, #tpu.memory_space<vmem_shared>> -> memref<640x128xf32, #tpu.memory_space<vmem_shared>>
      tpu.enqueue_dma source(%arg4 : memref<640x128xf32, #tpu.memory_space<hbm>>) target(%dma_start3A_13 : memref<640x128xf32, #tpu.memory_space<vmem_shared>>) target_semaphore(%run_scoped3A : memref<!tpu.dma_semaphore, #tpu.memory_space<semaphore_mem>>)
      %dma_wait3A = arith.constant 0 : i32
      %dma_wait3A_14 = tpu.memref_slice %arg8[%mul3A_2, %dma_wait3A] : memref<10240x128xf32, #tpu.memory_space<vmem_shared>> -> memref<640x128xf32, #tpu.memory_space<vmem_shared>>
      tpu.wait_dma2 semaphore(%run_scoped3A : memref<!tpu.dma_semaphore, #tpu.memory_space<semaphore_mem>>) src(%arg4 : memref<640x128xf32, #tpu.memory_space<hbm>>) dst(%dma_wait3A_14 : memref<640x128xf32, #tpu.memory_space<vmem_shared>>)
      tpu.yield
    }) : () -> ()
    %barrier3A = arith.constant 0 : index
    tpu.barrier barrier_id(%barrier3A)
    %scan3A = arith.constant 0 : i32
    %scan3A_3 = arith.constant 0 : i32
    %scan3A_4 = arith.constant 79 : i32
    %scan3A_5 = arith.addi %scan3A_3, %scan3A_4 : i32
    %scan3A_6 = arith.constant 1 : i32
    scf.for %scan3A_13 = %scan3A_3 to %scan3A_5 step %scan3A_6  : i32 {
      "tpu.region"() ({
        %run_scoped3A_26 = tpu.sem_alloc : memref<!tpu.dma_semaphore, #tpu.memory_space<semaphore_mem>>
        %dma_start3A_27 = arith.constant 0 : i32
        %dma_start3A_28 = arith.constant 0 : i32
        %dma_start3A_29 = tpu.memref_slice %arg3[%add3A, %scan3A_13, %dma_start3A_27, %dma_start3A_28] : memref<32x79x2x128xi32, #tpu.memory_space<hbm>> -> memref<1x1x2x128xi32, #tpu.memory_space<hbm>>
        %dma_start3A_30 = tpu.memref_squeeze %dma_start3A_29 : memref<1x1x2x128xi32, #tpu.memory_space<hbm>> -> memref<2x128xi32, #tpu.memory_space<hbm>>
        %dma_start3A_31 = arith.constant 0 : i32
        %dma_start3A_32 = arith.constant 0 : i32
        %dma_start3A_33 = tpu.memref_slice %arg3[%add3A, %scan3A_13, %dma_start3A_31, %dma_start3A_32] : memref<32x79x2x128xi32, #tpu.memory_space<hbm>> -> memref<1x1x2x128xi32, #tpu.memory_space<hbm>>
        %dma_start3A_34 = tpu.memref_squeeze %dma_start3A_33 : memref<1x1x2x128xi32, #tpu.memory_space<hbm>> -> memref<2x128xi32, #tpu.memory_space<hbm>>
        tpu.enqueue_dma source(%dma_start3A_34 : memref<2x128xi32, #tpu.memory_space<hbm>>) target(%arg6 : memref<2x128xi32, #tpu.memory_space<vmem>>) target_semaphore(%run_scoped3A_26 : memref<!tpu.dma_semaphore, #tpu.memory_space<semaphore_mem>>)
        %dma_wait3A_35 = arith.constant 0 : i32
        %dma_wait3A_36 = arith.constant 0 : i32
        %dma_wait3A_37 = tpu.memref_slice %arg3[%add3A, %scan3A_13, %dma_wait3A_35, %dma_wait3A_36] : memref<32x79x2x128xi32, #tpu.memory_space<hbm>> -> memref<1x1x2x128xi32, #tpu.memory_space<hbm>>
        %dma_wait3A_38 = tpu.memref_squeeze %dma_wait3A_37 : memref<1x1x2x128xi32, #tpu.memory_space<hbm>> -> memref<2x128xi32, #tpu.memory_space<hbm>>
        %dma_wait3A_39 = arith.constant 0 : i32
        %dma_wait3A_40 = arith.constant 0 : i32
        %dma_wait3A_41 = tpu.memref_slice %arg3[%add3A, %scan3A_13, %dma_wait3A_39, %dma_wait3A_40] : memref<32x79x2x128xi32, #tpu.memory_space<hbm>> -> memref<1x1x2x128xi32, #tpu.memory_space<hbm>>
        %dma_wait3A_42 = tpu.memref_squeeze %dma_wait3A_41 : memref<1x1x2x128xi32, #tpu.memory_space<hbm>> -> memref<2x128xi32, #tpu.memory_space<hbm>>
        tpu.wait_dma2 semaphore(%run_scoped3A_26 : memref<!tpu.dma_semaphore, #tpu.memory_space<semaphore_mem>>) src(%dma_wait3A_42 : memref<2x128xi32, #tpu.memory_space<hbm>>) dst(%arg6 : memref<2x128xi32, #tpu.memory_space<vmem>>)
        tpu.yield
      }) : () -> ()
      %dma_start3A = arith.constant 0 : i32
      %dma_start3A_14 = arith.constant 0 : i32
      %dma_start3A_15 = tpu.memref_slice %arg6[%dma_start3A, %dma_start3A_14] : memref<2x128xi32, #tpu.memory_space<vmem>> -> memref<1x128xi32, #tpu.memory_space<vmem>>
      %dma_start3A_16 = tpu.memref_squeeze %dma_start3A_15 : memref<1x128xi32, #tpu.memory_space<vmem>> -> memref<128xi32, #tpu.memory_space<vmem>>
      %dma_start3A_17 = arith.constant 0 : i32
      %dma_start3A_18 = arith.constant 0 : i32
      %dma_start3A_19 = tpu.memref_slice %arg2[%dma_start3A_17, %dma_start3A_18] : memref<10000x128xf32, #tpu.memory_space<hbm>> -> memref<10000x128xf32, #tpu.memory_space<hbm>>
      tpu.enqueue_indirect_dma source(%dma_start3A_19 : memref<10000x128xf32, #tpu.memory_space<hbm>>) target(%arg7 : memref<128x128xf32, #tpu.memory_space<vmem>>) offsets(%dma_start3A_16 : memref<128xi32, #tpu.memory_space<vmem>>) semaphore(%arg9 : memref<!tpu.dma_semaphore, #tpu.memory_space<semaphore_mem>>)
      %dma_wait3A = arith.constant 0 : i32
      %dma_wait3A_20 = arith.constant 0 : i32
      %dma_wait3A_21 = tpu.memref_slice %arg6[%dma_wait3A, %dma_wait3A_20] : memref<2x128xi32, #tpu.memory_space<vmem>> -> memref<1x128xi32, #tpu.memory_space<vmem>>
      %dma_wait3A_22 = tpu.memref_squeeze %dma_wait3A_21 : memref<1x128xi32, #tpu.memory_space<vmem>> -> memref<128xi32, #tpu.memory_space<vmem>>
      %dma_wait3A_23 = arith.constant 0 : i32
      %dma_wait3A_24 = arith.constant 0 : i32
      %dma_wait3A_25 = tpu.memref_slice %arg2[%dma_wait3A_23, %dma_wait3A_24] : memref<10000x128xf32, #tpu.memory_space<hbm>> -> memref<10000x128xf32, #tpu.memory_space<hbm>>
      tpu.wait_indirect_dma semaphore(%arg9 : memref<!tpu.dma_semaphore, #tpu.memory_space<semaphore_mem>>) src(%dma_wait3A_25 : memref<10000x128xf32, #tpu.memory_space<hbm>>) dst(%arg7 : memref<128x128xf32, #tpu.memory_space<vmem>>)
      %run_scoped3A = arith.constant 1 : i32
      "tpu.region"() ({
        %run_scoped3A_26 = tpu.sem_alloc : memref<!tpu.dma_semaphore, #tpu.memory_space<semaphore_mem>>
        %dma_start3A_27 = arith.constant 0 : i32
        %dma_start3A_28 = tpu.memref_slice %arg6[%run_scoped3A, %dma_start3A_27] : memref<2x128xi32, #tpu.memory_space<vmem>> -> memref<1x128xi32, #tpu.memory_space<vmem>>
        %dma_start3A_29 = tpu.memref_squeeze %dma_start3A_28 : memref<1x128xi32, #tpu.memory_space<vmem>> -> memref<128xi32, #tpu.memory_space<vmem>>
        %dma_start3A_30 = arith.constant 0 : i32
        %dma_start3A_31 = arith.constant 0 : i32
        %dma_start3A_32 = tpu.memref_slice %arg8[%dma_start3A_30, %dma_start3A_31] : memref<10240x128xf32, #tpu.memory_space<vmem_shared>> -> memref<10240x128xf32, #tpu.memory_space<vmem_shared>>
        tpu.enqueue_indirect_dma source(%arg7 : memref<128x128xf32, #tpu.memory_space<vmem>>) target(%dma_start3A_32 : memref<10240x128xf32, #tpu.memory_space<vmem_shared>>) offsets(%dma_start3A_29 : memref<128xi32, #tpu.memory_space<vmem>>) semaphore(%run_scoped3A_26 : memref<!tpu.dma_semaphore, #tpu.memory_space<semaphore_mem>>) {add = true}
        %dma_wait3A_33 = arith.constant 0 : i32
        %dma_wait3A_34 = tpu.memref_slice %arg6[%run_scoped3A, %dma_wait3A_33] : memref<2x128xi32, #tpu.memory_space<vmem>> -> memref<1x128xi32, #tpu.memory_space<vmem>>
        %dma_wait3A_35 = tpu.memref_squeeze %dma_wait3A_34 : memref<1x128xi32, #tpu.memory_space<vmem>> -> memref<128xi32, #tpu.memory_space<vmem>>
        %dma_wait3A_36 = arith.constant 0 : i32
        %dma_wait3A_37 = arith.constant 0 : i32
        %dma_wait3A_38 = tpu.memref_slice %arg8[%dma_wait3A_36, %dma_wait3A_37] : memref<10240x128xf32, #tpu.memory_space<vmem_shared>> -> memref<10240x128xf32, #tpu.memory_space<vmem_shared>>
        tpu.wait_indirect_dma semaphore(%run_scoped3A_26 : memref<!tpu.dma_semaphore, #tpu.memory_space<semaphore_mem>>) src(%arg7 : memref<128x128xf32, #tpu.memory_space<vmem>>) dst(%dma_wait3A_38 : memref<10240x128xf32, #tpu.memory_space<vmem_shared>>)
        tpu.yield
      }) : () -> ()
    }
    %scan3A_7 = arith.constant 79 : i32
    %barrier3A_8 = arith.constant 0 : index
    tpu.barrier barrier_id(%barrier3A_8)
    %mul3A_9 = arith.constant 640 : i32
    %mul3A_10 = arith.muli %arg1, %mul3A_9 : i32
    %mul3A_11 = arith.constant 640 : i32
    %mul3A_12 = arith.muli %arg1, %mul3A_11 : i32
    "tpu.region"() ({
      %run_scoped3A = tpu.sem_alloc : memref<!tpu.dma_semaphore, #tpu.memory_space<semaphore_mem>>
      %dma_start3A = arith.constant 0 : i32
      %dma_start3A_13 = tpu.memref_slice %arg5[%arg0, %mul3A_12, %dma_start3A] : memref<2x10240x128xf32, #tpu.memory_space<hbm>> -> memref<1x640x128xf32, #tpu.memory_space<hbm>>
      %dma_start3A_14 = tpu.memref_squeeze %dma_start3A_13 : memref<1x640x128xf32, #tpu.memory_space<hbm>> -> memref<640x128xf32, #tpu.memory_space<hbm>>
      %dma_start3A_15 = arith.constant 0 : i32
      %dma_start3A_16 = tpu.memref_slice %arg8[%mul3A_10, %dma_start3A_15] : memref<10240x128xf32, #tpu.memory_space<vmem_shared>> -> memref<640x128xf32, #tpu.memory_space<vmem_shared>>
      tpu.enqueue_dma source(%dma_start3A_16 : memref<640x128xf32, #tpu.memory_space<vmem_shared>>) target(%dma_start3A_14 : memref<640x128xf32, #tpu.memory_space<hbm>>) target_semaphore(%run_scoped3A : memref<!tpu.dma_semaphore, #tpu.memory_space<semaphore_mem>>)
      %dma_wait3A = arith.constant 0 : i32
      %dma_wait3A_17 = tpu.memref_slice %arg5[%arg0, %mul3A_12, %dma_wait3A] : memref<2x10240x128xf32, #tpu.memory_space<hbm>> -> memref<1x640x128xf32, #tpu.memory_space<hbm>>
      %dma_wait3A_18 = tpu.memref_squeeze %dma_wait3A_17 : memref<1x640x128xf32, #tpu.memory_space<hbm>> -> memref<640x128xf32, #tpu.memory_space<hbm>>
      %dma_wait3A_19 = arith.constant 0 : i32
      %dma_wait3A_20 = tpu.memref_slice %arg8[%mul3A_10, %dma_wait3A_19] : memref<10240x128xf32, #tpu.memory_space<vmem_shared>> -> memref<640x128xf32, #tpu.memory_space<vmem_shared>>
      tpu.wait_dma2 semaphore(%run_scoped3A : memref<!tpu.dma_semaphore, #tpu.memory_space<semaphore_mem>>) src(%dma_wait3A_20 : memref<640x128xf32, #tpu.memory_space<vmem_shared>>) dst(%dma_wait3A_18 : memref<640x128xf32, #tpu.memory_space<hbm>>)
      tpu.yield
    }) : () -> ()
    return
  }
}

module attributes {stable_mosaic.version = 14 : i64} {
  func.func @_prelude_body(%arg0: i32, %arg1: memref<1000x128xf32, #tpu.memory_space<vmem>>, %arg2: memref<128x128xf32, #tpu.memory_space<vmem>>, %arg3: memref<1x128xf32, #tpu.memory_space<vmem>>, %arg4: memref<128x128xf32, #tpu.memory_space<vmem>>, %arg5: memref<1x128xf32, #tpu.memory_space<vmem>>, %arg6: memref<128x128xf32, #tpu.memory_space<vmem>>, %arg7: memref<1x128xf32, #tpu.memory_space<vmem>>, %arg8: memref<1x128xf32, #tpu.memory_space<vmem>>, %arg9: memref<1x128xf32, #tpu.memory_space<vmem>>, %arg10: memref<1x128xf32, #tpu.memory_space<vmem>>, %arg11: memref<1x128xf32, #tpu.memory_space<vmem>>, %arg12: memref<1000x128xf32, #tpu.memory_space<vmem>>, %arg13: memref<1000x128xf32, #tpu.memory_space<vmem>>, %arg14: memref<1000x128xf32, #tpu.memory_space<vmem>>) attributes {dimension_semantics = [#tpu.dimension_semantics<arbitrary>], iteration_bounds = array<i64: 10>, scalar_prefetch = 0 : i64, scratch_operands = 0 : i64, tpu.core_type = #tpu.core_type<tc>, window_params = [{transform_indices = @transform_0, window_bounds = array<i64: 1000, 128>}, {pipeline_mode = #tpu.pipeline_mode<synchronous>, transform_indices = @transform_1, window_bounds = array<i64: 128, 128>}, {pipeline_mode = #tpu.pipeline_mode<synchronous>, transform_indices = @transform_2, window_bounds = array<i64: 1, 128>}, {pipeline_mode = #tpu.pipeline_mode<synchronous>, transform_indices = @transform_3, window_bounds = array<i64: 128, 128>}, {pipeline_mode = #tpu.pipeline_mode<synchronous>, transform_indices = @transform_4, window_bounds = array<i64: 1, 128>}, {pipeline_mode = #tpu.pipeline_mode<synchronous>, transform_indices = @transform_5, window_bounds = array<i64: 128, 128>}, {pipeline_mode = #tpu.pipeline_mode<synchronous>, transform_indices = @transform_6, window_bounds = array<i64: 1, 128>}, {pipeline_mode = #tpu.pipeline_mode<synchronous>, transform_indices = @transform_7, window_bounds = array<i64: 1, 128>}, {pipeline_mode = #tpu.pipeline_mode<synchronous>, transform_indices = @transform_8, window_bounds = array<i64: 1, 128>}, {pipeline_mode = #tpu.pipeline_mode<synchronous>, transform_indices = @transform_9, window_bounds = array<i64: 1, 128>}, {pipeline_mode = #tpu.pipeline_mode<synchronous>, transform_indices = @transform_10, window_bounds = array<i64: 1, 128>}, {transform_indices = @transform_11, window_bounds = array<i64: 1000, 128>}, {transform_indices = @transform_12, window_bounds = array<i64: 1000, 128>}, {transform_indices = @transform_13, window_bounds = array<i64: 1000, 128>}]} {
    %get3A = arith.constant 0 : index
    %get3A_0 = arith.constant 0 : index
    %get3A_1 = vector.load %arg1[%get3A, %get3A_0] : memref<1000x128xf32, #tpu.memory_space<vmem>>, vector<1000x128xf32>
    %get3A_2 = arith.constant 0 : index
    %get3A_3 = arith.constant 0 : index
    %get3A_4 = vector.load %arg10[%get3A_2, %get3A_3] : memref<1x128xf32, #tpu.memory_space<vmem>>, vector<1x128xf32>
    %get3A_5 = arith.constant 0 : index
    %get3A_6 = arith.constant 0 : index
    %get3A_7 = vector.load %arg11[%get3A_5, %get3A_6] : memref<1x128xf32, #tpu.memory_space<vmem>>, vector<1x128xf32>
    %reduce_sum3A = arith.constant dense<0.000000e+00> : vector<1000xf32>
    %reduce_sum3A_8 = vector.multi_reduction <add>, %get3A_1, %reduce_sum3A [1] : vector<1000x128xf32> to vector<1000xf32>
    %broadcast_in_dim3A = vector.shape_cast %reduce_sum3A_8 : vector<1000xf32> to vector<1000x1xf32>
    %div3A = arith.constant 1.280000e+02 : f32
    %div3A_9 = vector.broadcast %div3A : f32 to vector<1000x1xf32>
    %div3A_10 = arith.divf %broadcast_in_dim3A, %div3A_9 : vector<1000x1xf32>
    %sub3A = vector.broadcast %div3A_10 : vector<1000x1xf32> to vector<1000x128xf32>
    %sub3A_11 = arith.subf %get3A_1, %sub3A : vector<1000x128xf32>
    %sub3A_12 = vector.broadcast %div3A_10 : vector<1000x1xf32> to vector<1000x128xf32>
    %sub3A_13 = arith.subf %get3A_1, %sub3A_12 : vector<1000x128xf32>
    %mul3A = arith.mulf %sub3A_11, %sub3A_13 : vector<1000x128xf32>
    %reduce_sum3A_14 = arith.constant dense<0.000000e+00> : vector<1000xf32>
    %reduce_sum3A_15 = vector.multi_reduction <add>, %mul3A, %reduce_sum3A_14 [1] : vector<1000x128xf32> to vector<1000xf32>
    %broadcast_in_dim3A_16 = vector.shape_cast %reduce_sum3A_15 : vector<1000xf32> to vector<1000x1xf32>
    %div3A_17 = arith.constant 1.280000e+02 : f32
    %div3A_18 = vector.broadcast %div3A_17 : f32 to vector<1000x1xf32>
    %div3A_19 = arith.divf %broadcast_in_dim3A_16, %div3A_18 : vector<1000x1xf32>
    %sub3A_20 = vector.broadcast %div3A_10 : vector<1000x1xf32> to vector<1000x128xf32>
    %sub3A_21 = arith.subf %get3A_1, %sub3A_20 : vector<1000x128xf32>
    %add3A = arith.constant 9.99999974E-6 : f32
    %add3A_22 = vector.broadcast %add3A : f32 to vector<1000x1xf32>
    %add3A_23 = arith.addf %div3A_19, %add3A_22 : vector<1000x1xf32>
    %rsqrt3A = math.rsqrt %add3A_23 : vector<1000x1xf32>
    %mul3A_24 = vector.broadcast %rsqrt3A : vector<1000x1xf32> to vector<1000x128xf32>
    %mul3A_25 = arith.mulf %sub3A_21, %mul3A_24 : vector<1000x128xf32>
    %mul3A_26 = vector.broadcast %get3A_4 : vector<1x128xf32> to vector<1000x128xf32>
    %mul3A_27 = arith.mulf %mul3A_25, %mul3A_26 : vector<1000x128xf32>
    %add3A_28 = vector.broadcast %get3A_7 : vector<1x128xf32> to vector<1000x128xf32>
    %add3A_29 = arith.addf %mul3A_27, %add3A_28 : vector<1000x128xf32>
    %swap3A = arith.constant 0 : index
    %swap3A_30 = arith.constant 0 : index
    %swap3A_31 = vector.load %arg14[%swap3A, %swap3A_30] : memref<1000x128xf32, #tpu.memory_space<vmem>>, vector<1000x128xf32>
    tpu.vector_store %arg14[%swap3A, %swap3A_30], %add3A_29 {strides = array<i32>} : memref<1000x128xf32, #tpu.memory_space<vmem>>, vector<1000x128xf32>,
    %get3A_32 = arith.constant 0 : index
    %get3A_33 = arith.constant 0 : index
    %get3A_34 = vector.load %arg2[%get3A_32, %get3A_33] : memref<128x128xf32, #tpu.memory_space<vmem>>, vector<128x128xf32>
    %dot_general3A = arith.constant dense<0.000000e+00> : vector<1000x128xf32>
    %dot_general3A_35 = tpu.matmul %get3A_1, %get3A_34, %dot_general3A {dimension_numbers = #tpu.dot_dimension_numbers<[1], [1], [0], [0], [0, 0, 1, 0], [], []>, transpose_lhs_hint = false} : vector<1000x128xf32>, vector<128x128xf32>, vector<1000x128xf32> -> vector<1000x128xf32>
    %get3A_36 = arith.constant 0 : index
    %get3A_37 = arith.constant 0 : index
    %get3A_38 = vector.load %arg3[%get3A_36, %get3A_37] : memref<1x128xf32, #tpu.memory_space<vmem>>, vector<1x128xf32>
    %add3A_39 = vector.broadcast %get3A_38 : vector<1x128xf32> to vector<1000x128xf32>
    %add3A_40 = arith.addf %dot_general3A_35, %add3A_39 : vector<1000x128xf32>
    %max3A = arith.constant 0.000000e+00 : f32
    %max3A_41 = vector.broadcast %max3A : f32 to vector<1000x128xf32>
    %max3A_42 = arith.maximumf %add3A_40, %max3A_41 : vector<1000x128xf32>
    %abs3A = math.absf %add3A_40 : vector<1000x128xf32>
    %neg3A = arith.constant 0.000000e+00 : f32
    %neg3A_43 = vector.broadcast %neg3A : f32 to vector<1000x128xf32>
    %neg3A_44 = arith.subf %neg3A_43, %abs3A : vector<1000x128xf32>
    %exp3A = math.exp %neg3A_44 : vector<1000x128xf32>
    %log1p3A = math.log1p %exp3A : vector<1000x128xf32>
    %add3A_45 = arith.addf %max3A_42, %log1p3A : vector<1000x128xf32>
    %swap3A_46 = arith.constant 0 : index
    %swap3A_47 = arith.constant 0 : index
    %swap3A_48 = vector.load %arg12[%swap3A_46, %swap3A_47] : memref<1000x128xf32, #tpu.memory_space<vmem>>, vector<1000x128xf32>
    tpu.vector_store %arg12[%swap3A_46, %swap3A_47], %add3A_45 {strides = array<i32>} : memref<1000x128xf32, #tpu.memory_space<vmem>>, vector<1000x128xf32>,
    %get3A_49 = arith.constant 0 : index
    %get3A_50 = arith.constant 0 : index
    %get3A_51 = vector.load %arg4[%get3A_49, %get3A_50] : memref<128x128xf32, #tpu.memory_space<vmem>>, vector<128x128xf32>
    %dot_general3A_52 = arith.constant dense<0.000000e+00> : vector<1000x128xf32>
    %dot_general3A_53 = tpu.matmul %get3A_1, %get3A_51, %dot_general3A_52 {dimension_numbers = #tpu.dot_dimension_numbers<[1], [1], [0], [0], [0, 0, 1, 0], [], []>, transpose_lhs_hint = false} : vector<1000x128xf32>, vector<128x128xf32>, vector<1000x128xf32> -> vector<1000x128xf32>
    %get3A_54 = arith.constant 0 : index
    %get3A_55 = arith.constant 0 : index
    %get3A_56 = vector.load %arg5[%get3A_54, %get3A_55] : memref<1x128xf32, #tpu.memory_space<vmem>>, vector<1x128xf32>
    %add3A_57 = vector.broadcast %get3A_56 : vector<1x128xf32> to vector<1000x128xf32>
    %add3A_58 = arith.addf %dot_general3A_53, %add3A_57 : vector<1000x128xf32>
    %max3A_59 = arith.constant 0.000000e+00 : f32
    %max3A_60 = vector.broadcast %max3A_59 : f32 to vector<1000x128xf32>
    %max3A_61 = arith.maximumf %add3A_58, %max3A_60 : vector<1000x128xf32>
    %abs3A_62 = math.absf %add3A_58 : vector<1000x128xf32>
    %neg3A_63 = arith.constant 0.000000e+00 : f32
    %neg3A_64 = vector.broadcast %neg3A_63 : f32 to vector<1000x128xf32>
    %neg3A_65 = arith.subf %neg3A_64, %abs3A_62 : vector<1000x128xf32>
    %exp3A_66 = math.exp %neg3A_65 : vector<1000x128xf32>
    %log1p3A_67 = math.log1p %exp3A_66 : vector<1000x128xf32>
    %add3A_68 = arith.addf %max3A_61, %log1p3A_67 : vector<1000x128xf32>
    %get3A_69 = arith.constant 0 : index
    %get3A_70 = arith.constant 0 : index
    %get3A_71 = vector.load %arg6[%get3A_69, %get3A_70] : memref<128x128xf32, #tpu.memory_space<vmem>>, vector<128x128xf32>
    %dot_general3A_72 = arith.constant dense<0.000000e+00> : vector<1000x128xf32>
    %dot_general3A_73 = tpu.matmul %add3A_68, %get3A_71, %dot_general3A_72 {dimension_numbers = #tpu.dot_dimension_numbers<[1], [1], [0], [0], [0, 0, 1, 0], [], []>, transpose_lhs_hint = false} : vector<1000x128xf32>, vector<128x128xf32>, vector<1000x128xf32> -> vector<1000x128xf32>
    %get3A_74 = arith.constant 0 : index
    %get3A_75 = arith.constant 0 : index
    %get3A_76 = vector.load %arg7[%get3A_74, %get3A_75] : memref<1x128xf32, #tpu.memory_space<vmem>>, vector<1x128xf32>
    %add3A_77 = vector.broadcast %get3A_76 : vector<1x128xf32> to vector<1000x128xf32>
    %add3A_78 = arith.addf %dot_general3A_73, %add3A_77 : vector<1000x128xf32>
    %get3A_79 = arith.constant 0 : index
    %get3A_80 = arith.constant 0 : index
    %get3A_81 = vector.load %arg8[%get3A_79, %get3A_80] : memref<1x128xf32, #tpu.memory_space<vmem>>, vector<1x128xf32>
    %get3A_82 = arith.constant 0 : index
    %get3A_83 = arith.constant 0 : index
    %get3A_84 = vector.load %arg9[%get3A_82, %get3A_83] : memref<1x128xf32, #tpu.memory_space<vmem>>, vector<1x128xf32>
    %reduce_sum3A_85 = arith.constant dense<0.000000e+00> : vector<1000xf32>
    %reduce_sum3A_86 = vector.multi_reduction <add>, %add3A_78, %reduce_sum3A_85 [1] : vector<1000x128xf32> to vector<1000xf32>
    %broadcast_in_dim3A_87 = vector.shape_cast %reduce_sum3A_86 : vector<1000xf32> to vector<1000x1xf32>
    %div3A_88 = arith.constant 1.280000e+02 : f32
    %div3A_89 = vector.broadcast %div3A_88 : f32 to vector<1000x1xf32>
    %div3A_90 = arith.divf %broadcast_in_dim3A_87, %div3A_89 : vector<1000x1xf32>
    %sub3A_91 = vector.broadcast %div3A_90 : vector<1000x1xf32> to vector<1000x128xf32>
    %sub3A_92 = arith.subf %add3A_78, %sub3A_91 : vector<1000x128xf32>
    %sub3A_93 = vector.broadcast %div3A_90 : vector<1000x1xf32> to vector<1000x128xf32>
    %sub3A_94 = arith.subf %add3A_78, %sub3A_93 : vector<1000x128xf32>
    %mul3A_95 = arith.mulf %sub3A_92, %sub3A_94 : vector<1000x128xf32>
    %reduce_sum3A_96 = arith.constant dense<0.000000e+00> : vector<1000xf32>
    %reduce_sum3A_97 = vector.multi_reduction <add>, %mul3A_95, %reduce_sum3A_96 [1] : vector<1000x128xf32> to vector<1000xf32>
    %broadcast_in_dim3A_98 = vector.shape_cast %reduce_sum3A_97 : vector<1000xf32> to vector<1000x1xf32>
    %div3A_99 = arith.constant 1.280000e+02 : f32
    %div3A_100 = vector.broadcast %div3A_99 : f32 to vector<1000x1xf32>
    %div3A_101 = arith.divf %broadcast_in_dim3A_98, %div3A_100 : vector<1000x1xf32>
    %sub3A_102 = vector.broadcast %div3A_90 : vector<1000x1xf32> to vector<1000x128xf32>
    %sub3A_103 = arith.subf %add3A_78, %sub3A_102 : vector<1000x128xf32>
    %add3A_104 = arith.constant 9.99999974E-6 : f32
    %add3A_105 = vector.broadcast %add3A_104 : f32 to vector<1000x1xf32>
    %add3A_106 = arith.addf %div3A_101, %add3A_105 : vector<1000x1xf32>
    %rsqrt3A_107 = math.rsqrt %add3A_106 : vector<1000x1xf32>
    %mul3A_108 = vector.broadcast %rsqrt3A_107 : vector<1000x1xf32> to vector<1000x128xf32>
    %mul3A_109 = arith.mulf %sub3A_103, %mul3A_108 : vector<1000x128xf32>
    %mul3A_110 = vector.broadcast %get3A_81 : vector<1x128xf32> to vector<1000x128xf32>
    %mul3A_111 = arith.mulf %mul3A_109, %mul3A_110 : vector<1000x128xf32>
    %add3A_112 = vector.broadcast %get3A_84 : vector<1x128xf32> to vector<1000x128xf32>
    %add3A_113 = arith.addf %mul3A_111, %add3A_112 : vector<1000x128xf32>
    %swap3A_114 = arith.constant 0 : index
    %swap3A_115 = arith.constant 0 : index
    %swap3A_116 = vector.load %arg13[%swap3A_114, %swap3A_115] : memref<1000x128xf32, #tpu.memory_space<vmem>>, vector<1000x128xf32>
    tpu.vector_store %arg13[%swap3A_114, %swap3A_115], %add3A_113 {strides = array<i32>} : memref<1000x128xf32, #tpu.memory_space<vmem>>, vector<1000x128xf32>,
    return
  }
  func.func @transform_0(%arg0: i32) -> (i32, i32) {
    %c0_i32 = arith.constant 0 : i32
    %c0_i32_0 = arith.constant 0 : i32
    return %arg0, %c0_i32 : i32, i32
  }
  func.func @transform_1(%arg0: i32) -> (i32, i32) {
    %c0_i32 = arith.constant 0 : i32
    %c0_i32_0 = arith.constant 0 : i32
    %c0_i32_1 = arith.constant 0 : i32
    return %c0_i32, %c0_i32_0 : i32, i32
  }
  func.func @transform_2(%arg0: i32) -> (i32, i32) {
    %c0_i32 = arith.constant 0 : i32
    %c0_i32_0 = arith.constant 0 : i32
    %c0_i32_1 = arith.constant 0 : i32
    return %c0_i32, %c0_i32_0 : i32, i32
  }
  func.func @transform_3(%arg0: i32) -> (i32, i32) {
    %c0_i32 = arith.constant 0 : i32
    %c0_i32_0 = arith.constant 0 : i32
    %c0_i32_1 = arith.constant 0 : i32
    return %c0_i32, %c0_i32_0 : i32, i32
  }
  func.func @transform_4(%arg0: i32) -> (i32, i32) {
    %c0_i32 = arith.constant 0 : i32
    %c0_i32_0 = arith.constant 0 : i32
    %c0_i32_1 = arith.constant 0 : i32
    return %c0_i32, %c0_i32_0 : i32, i32
  }
  func.func @transform_5(%arg0: i32) -> (i32, i32) {
    %c0_i32 = arith.constant 0 : i32
    %c0_i32_0 = arith.constant 0 : i32
    %c0_i32_1 = arith.constant 0 : i32
    return %c0_i32, %c0_i32_0 : i32, i32
  }
  func.func @transform_6(%arg0: i32) -> (i32, i32) {
    %c0_i32 = arith.constant 0 : i32
    %c0_i32_0 = arith.constant 0 : i32
    %c0_i32_1 = arith.constant 0 : i32
    return %c0_i32, %c0_i32_0 : i32, i32
  }
  func.func @transform_7(%arg0: i32) -> (i32, i32) {
    %c0_i32 = arith.constant 0 : i32
    %c0_i32_0 = arith.constant 0 : i32
    %c0_i32_1 = arith.constant 0 : i32
    return %c0_i32, %c0_i32_0 : i32, i32
  }
  func.func @transform_8(%arg0: i32) -> (i32, i32) {
    %c0_i32 = arith.constant 0 : i32
    %c0_i32_0 = arith.constant 0 : i32
    %c0_i32_1 = arith.constant 0 : i32
    return %c0_i32, %c0_i32_0 : i32, i32
  }
  func.func @transform_9(%arg0: i32) -> (i32, i32) {
    %c0_i32 = arith.constant 0 : i32
    %c0_i32_0 = arith.constant 0 : i32
    %c0_i32_1 = arith.constant 0 : i32
    return %c0_i32, %c0_i32_0 : i32, i32
  }
  func.func @transform_10(%arg0: i32) -> (i32, i32) {
    %c0_i32 = arith.constant 0 : i32
    %c0_i32_0 = arith.constant 0 : i32
    %c0_i32_1 = arith.constant 0 : i32
    return %c0_i32, %c0_i32_0 : i32, i32
  }
  func.func @transform_11(%arg0: i32) -> (i32, i32) {
    %c0_i32 = arith.constant 0 : i32
    %c0_i32_0 = arith.constant 0 : i32
    return %arg0, %c0_i32 : i32, i32
  }
  func.func @transform_12(%arg0: i32) -> (i32, i32) {
    %c0_i32 = arith.constant 0 : i32
    %c0_i32_0 = arith.constant 0 : i32
    return %arg0, %c0_i32 : i32, i32
  }
  func.func @transform_13(%arg0: i32) -> (i32, i32) {
    %c0_i32 = arith.constant 0 : i32
    %c0_i32_0 = arith.constant 0 : i32
    return %arg0, %c0_i32 : i32, i32
  }
}

module attributes {stable_mosaic.version = 14 : i64} {
  func.func @_post_body(%arg0: i32, %arg1: memref<1000x128xf32, #tpu.memory_space<vmem>>, %arg2: memref<1000x128xf32, #tpu.memory_space<vmem>>, %arg3: memref<1000x128xf32, #tpu.memory_space<vmem>>, %arg4: memref<1000x128xf32, #tpu.memory_space<vmem>>, %arg5: memref<1000x128xf32, #tpu.memory_space<vmem>>, %arg6: memref<1000x1xf32, #tpu.memory_space<vmem>>, %arg7: memref<128x128xf32, #tpu.memory_space<vmem>>, %arg8: memref<1x128xf32, #tpu.memory_space<vmem>>, %arg9: memref<128x128xf32, #tpu.memory_space<vmem>>, %arg10: memref<1x128xf32, #tpu.memory_space<vmem>>, %arg11: memref<1000x128xf32, #tpu.memory_space<vmem>>) attributes {dimension_semantics = [#tpu.dimension_semantics<arbitrary>], iteration_bounds = array<i64: 10>, scalar_prefetch = 0 : i64, scratch_operands = 0 : i64, tpu.core_type = #tpu.core_type<tc>, window_params = [{transform_indices = @transform_0, window_bounds = array<i64: 1000, 128>}, {transform_indices = @transform_1, window_bounds = array<i64: 1000, 128>}, {transform_indices = @transform_2, window_bounds = array<i64: 1000, 128>}, {transform_indices = @transform_3, window_bounds = array<i64: 1000, 128>}, {transform_indices = @transform_4, window_bounds = array<i64: 1000, 128>}, {transform_indices = @transform_5, window_bounds = array<i64: 1000, 1>}, {pipeline_mode = #tpu.pipeline_mode<synchronous>, transform_indices = @transform_6, window_bounds = array<i64: 128, 128>}, {pipeline_mode = #tpu.pipeline_mode<synchronous>, transform_indices = @transform_7, window_bounds = array<i64: 1, 128>}, {pipeline_mode = #tpu.pipeline_mode<synchronous>, transform_indices = @transform_8, window_bounds = array<i64: 128, 128>}, {pipeline_mode = #tpu.pipeline_mode<synchronous>, transform_indices = @transform_9, window_bounds = array<i64: 1, 128>}, {transform_indices = @transform_10, window_bounds = array<i64: 1000, 128>}]} {
    %get3A = arith.constant 0 : index
    %get3A_0 = arith.constant 0 : index
    %get3A_1 = vector.load %arg1[%get3A, %get3A_0] : memref<1000x128xf32, #tpu.memory_space<vmem>>, vector<1000x128xf32>
    %get3A_2 = arith.constant 0 : index
    %get3A_3 = arith.constant 0 : index
    %get3A_4 = vector.load %arg4[%get3A_2, %get3A_3] : memref<1000x128xf32, #tpu.memory_space<vmem>>, vector<1000x128xf32>
    %get3A_5 = arith.constant 0 : index
    %get3A_6 = arith.constant 0 : index
    %get3A_7 = vector.load %arg5[%get3A_5, %get3A_6] : memref<1000x128xf32, #tpu.memory_space<vmem>>, vector<1000x128xf32>
    %add3A = arith.addf %get3A_4, %get3A_7 : vector<1000x128xf32>
    %mul3A = arith.mulf %get3A_1, %add3A : vector<1000x128xf32>
    %get3A_8 = arith.constant 0 : index
    %get3A_9 = arith.constant 0 : index
    %get3A_10 = vector.load %arg2[%get3A_8, %get3A_9] : memref<1000x128xf32, #tpu.memory_space<vmem>>, vector<1000x128xf32>
    %add3A_11 = arith.addf %mul3A, %get3A_10 : vector<1000x128xf32>
    %get3A_12 = arith.constant 0 : index
    %get3A_13 = arith.constant 0 : index
    %get3A_14 = vector.load %arg6[%get3A_12, %get3A_13] : memref<1000x1xf32, #tpu.memory_space<vmem>>, vector<1000x1xf32>
    %mul3A_15 = vector.broadcast %get3A_14 : vector<1000x1xf32> to vector<1000x128xf32>
    %mul3A_16 = arith.mulf %get3A_1, %mul3A_15 : vector<1000x128xf32>
    %add3A_17 = arith.constant 1.000000e+00 : f32
    %add3A_18 = vector.broadcast %add3A_17 : f32 to vector<1000x128xf32>
    %add3A_19 = arith.addf %add3A_18, %mul3A_16 : vector<1000x128xf32>
    %add3A_20 = arith.constant 9.99999974E-5 : f32
    %add3A_21 = vector.broadcast %add3A_20 : f32 to vector<1000x128xf32>
    %add3A_22 = arith.addf %add3A_19, %add3A_21 : vector<1000x128xf32>
    %div3A = arith.divf %add3A_11, %add3A_22 : vector<1000x128xf32>
    %get3A_23 = arith.constant 0 : index
    %get3A_24 = arith.constant 0 : index
    %get3A_25 = vector.load %arg7[%get3A_23, %get3A_24] : memref<128x128xf32, #tpu.memory_space<vmem>>, vector<128x128xf32>
    %dot_general3A = arith.constant dense<0.000000e+00> : vector<1000x128xf32>
    %dot_general3A_26 = tpu.matmul %div3A, %get3A_25, %dot_general3A {dimension_numbers = #tpu.dot_dimension_numbers<[1], [1], [0], [0], [0, 0, 1, 0], [], []>, transpose_lhs_hint = false} : vector<1000x128xf32>, vector<128x128xf32>, vector<1000x128xf32> -> vector<1000x128xf32>
    %get3A_27 = arith.constant 0 : index
    %get3A_28 = arith.constant 0 : index
    %get3A_29 = vector.load %arg8[%get3A_27, %get3A_28] : memref<1x128xf32, #tpu.memory_space<vmem>>, vector<1x128xf32>
    %add3A_30 = vector.broadcast %get3A_29 : vector<1x128xf32> to vector<1000x128xf32>
    %add3A_31 = arith.addf %dot_general3A_26, %add3A_30 : vector<1000x128xf32>
    %mul3A_32 = arith.constant 5.000000e-01 : f32
    %mul3A_33 = vector.broadcast %mul3A_32 : f32 to vector<1000x128xf32>
    %mul3A_34 = arith.mulf %mul3A_33, %add3A_31 : vector<1000x128xf32>
    %mul3A_35 = arith.constant 0.707106769 : f32
    %mul3A_36 = vector.broadcast %mul3A_35 : f32 to vector<1000x128xf32>
    %mul3A_37 = arith.mulf %add3A_31, %mul3A_36 : vector<1000x128xf32>
    %erf3A = math.erf %mul3A_37 : vector<1000x128xf32>
    %add3A_38 = arith.constant 1.000000e+00 : f32
    %add3A_39 = vector.broadcast %add3A_38 : f32 to vector<1000x128xf32>
    %add3A_40 = arith.addf %add3A_39, %erf3A : vector<1000x128xf32>
    %mul3A_41 = arith.mulf %mul3A_34, %add3A_40 : vector<1000x128xf32>
    %get3A_42 = arith.constant 0 : index
    %get3A_43 = arith.constant 0 : index
    %get3A_44 = vector.load %arg9[%get3A_42, %get3A_43] : memref<128x128xf32, #tpu.memory_space<vmem>>, vector<128x128xf32>
    %dot_general3A_45 = arith.constant dense<0.000000e+00> : vector<1000x128xf32>
    %dot_general3A_46 = tpu.matmul %mul3A_41, %get3A_44, %dot_general3A_45 {dimension_numbers = #tpu.dot_dimension_numbers<[1], [1], [0], [0], [0, 0, 1, 0], [], []>, transpose_lhs_hint = false} : vector<1000x128xf32>, vector<128x128xf32>, vector<1000x128xf32> -> vector<1000x128xf32>
    %get3A_47 = arith.constant 0 : index
    %get3A_48 = arith.constant 0 : index
    %get3A_49 = vector.load %arg10[%get3A_47, %get3A_48] : memref<1x128xf32, #tpu.memory_space<vmem>>, vector<1x128xf32>
    %add3A_50 = vector.broadcast %get3A_49 : vector<1x128xf32> to vector<1000x128xf32>
    %add3A_51 = arith.addf %dot_general3A_46, %add3A_50 : vector<1000x128xf32>
    %get3A_52 = arith.constant 0 : index
    %get3A_53 = arith.constant 0 : index
    %get3A_54 = vector.load %arg3[%get3A_52, %get3A_53] : memref<1000x128xf32, #tpu.memory_space<vmem>>, vector<1000x128xf32>
    %add3A_55 = arith.addf %add3A_51, %get3A_54 : vector<1000x128xf32>
    %swap3A = arith.constant 0 : index
    %swap3A_56 = arith.constant 0 : index
    %swap3A_57 = vector.load %arg11[%swap3A, %swap3A_56] : memref<1000x128xf32, #tpu.memory_space<vmem>>, vector<1000x128xf32>
    tpu.vector_store %arg11[%swap3A, %swap3A_56], %add3A_55 {strides = array<i32>} : memref<1000x128xf32, #tpu.memory_space<vmem>>, vector<1000x128xf32>,
    return
  }
  func.func @transform_0(%arg0: i32) -> (i32, i32) {
    %c0_i32 = arith.constant 0 : i32
    %c0_i32_0 = arith.constant 0 : i32
    return %arg0, %c0_i32 : i32, i32
  }
  func.func @transform_1(%arg0: i32) -> (i32, i32) {
    %c0_i32 = arith.constant 0 : i32
    %c0_i32_0 = arith.constant 0 : i32
    return %arg0, %c0_i32 : i32, i32
  }
  func.func @transform_2(%arg0: i32) -> (i32, i32) {
    %c0_i32 = arith.constant 0 : i32
    %c0_i32_0 = arith.constant 0 : i32
    return %arg0, %c0_i32 : i32, i32
  }
  func.func @transform_3(%arg0: i32) -> (i32, i32) {
    %c0_i32 = arith.constant 0 : i32
    %c0_i32_0 = arith.constant 0 : i32
    return %arg0, %c0_i32 : i32, i32
  }
  func.func @transform_4(%arg0: i32) -> (i32, i32) {
    %c0_i32 = arith.constant 0 : i32
    %c0_i32_0 = arith.constant 0 : i32
    return %arg0, %c0_i32 : i32, i32
  }
  func.func @transform_5(%arg0: i32) -> (i32, i32) {
    %c0_i32 = arith.constant 0 : i32
    %c0_i32_0 = arith.constant 0 : i32
    return %arg0, %c0_i32 : i32, i32
  }
  func.func @transform_6(%arg0: i32) -> (i32, i32) {
    %c0_i32 = arith.constant 0 : i32
    %c0_i32_0 = arith.constant 0 : i32
    %c0_i32_1 = arith.constant 0 : i32
    return %c0_i32, %c0_i32_0 : i32, i32
  }
  func.func @transform_7(%arg0: i32) -> (i32, i32) {
    %c0_i32 = arith.constant 0 : i32
    %c0_i32_0 = arith.constant 0 : i32
    %c0_i32_1 = arith.constant 0 : i32
    return %c0_i32, %c0_i32_0 : i32, i32
  }
  func.func @transform_8(%arg0: i32) -> (i32, i32) {
    %c0_i32 = arith.constant 0 : i32
    %c0_i32_0 = arith.constant 0 : i32
    %c0_i32_1 = arith.constant 0 : i32
    return %c0_i32, %c0_i32_0 : i32, i32
  }
  func.func @transform_9(%arg0: i32) -> (i32, i32) {
    %c0_i32 = arith.constant 0 : i32
    %c0_i32_0 = arith.constant 0 : i32
    %c0_i32_1 = arith.constant 0 : i32
    return %c0_i32, %c0_i32_0 : i32, i32
  }
  func.func @transform_10(%arg0: i32) -> (i32, i32) {
    %c0_i32 = arith.constant 0 : i32
    %c0_i32_0 = arith.constant 0 : i32
    return %arg0, %c0_i32 : i32, i32
  }
}

</mosaic_0001>

<sc_bundles>
// kernel: kernel.5.cloned.1.call-start
scs
__scs_entry_jumppad:
0x0: {  	(pc) =	sbr.rel $0x88, $3  }
0x1: {  	(tag) =	ssettag $0x0;
	lr =	simm.s32 $0x1  }
0x2: {  	[smem:$0x3F90] =	sst lr;
	_ =	strace $0xD0000000  }
0x3: {  	_ = 	snop  }
0x4: {  	_ = 	snop  }
0x5: {  	_ = 	snop  }
0x6: {  	_ = 	snop  }
0x7: {  	_ = 	snop  }
__scs_overlays_trampoline_lowered:
0x8: {  	[smem:$0x3F9F] =	sst s0  }
0x9: {  	[smem:$0x3FA0] =	sst s1  }
0xa: {  	[smem:$0x3FA1] =	sst s2  }
0xb: {  	[smem:$0x3FA2] =	sst s3  }
0xc: {  	[smem:$0x3FA3] =	sst s4  }
0xd: {  	[smem:$0x3FA4] =	sst s5  }
0xe: {  	[smem:$0x3FA5] =	sst s6  }
0xf: {  	[smem:$0x3FA6] =	sst s7  }
0x10: {  	[smem:$0x3FA7] =	sst s8  }
0x11: {  	[smem:$0x3FA8] =	sst s9;
	s0 =	simm.s32 @!p0 $0x0  }
0x12: {  	s1 =	sld [smem:$0x3F8E];
	s0 =	simm.s32 @p0 $0x1  }
0x13: {  	[smem:$0x3FA9] =	sst s0;
	s0 =	simm.s32 @!p1 $0x0  }
0x14: {  	s2 =	sld [smem:$0x3F8D];
	s0 =	simm.s32 @p1 $0x1  }
0x15: {  	[smem:$0x3FAA] =	sst s0;
	s0 =	simm.s32 @!p2 $0x0  }
0x16: {  	s3 =	sld [smem:$0x3FDB];
	s0 =	simm.s32 @p2 $0x1  }
0x17: {  	s4 =	simm.s32 $0x1BF5;
	[smem:$0x3FAC] =	sst s0  }
0x18: {  	s0 =	sld [smem:$0x3F8F];
	_ =	swait.ge [sflag:s4], $0x0  }
0x19: {  	s7 =	sld [smem:$0x3F90]  }
0x1a: {  	s8 =	sadd.s32 $0xFFFFE003, lr  }
0x1b: {  	s9 =	sadd.s32 $0xFFFFFEF7, lr;
	s5 =	simm.s32 $0xFFFFFFFF;
	p2 =	slt.u32 s8, $0xFFFFF086  }
0x1c: {  	p1 =	slt.u32 s9, $0xF7A;
	s5 =	simm.s32 @!p2 $0x0  }
0x1d: {  	s5 =	simm.s32 @p1 $0x1;
	p0 =	seq.s32 s7, s2  }
0x1e: {  	s7 =	smul.u32 @!p0 $0xF7A, s2;
	p2 =	seq.s32 @!p0 s5, $0x0  }
0x1f: {  	s9 =	smul.u32 $0xF7A, s1;
	s8 =	simm.s32 @!p0 $0x1BF5;
	p2 =	por !p2, p0  }
0x20: {  	[sflag:s8] =	ssyncset.s32 @!p0 $0xFFFFF086;
	s6 =	sadd.s32 @!p0 s3, s7;
	s7 =	simm.s32 @!p0 $0x108  }
0x21: {  	s3 =	sadd.s32 s3, s9;
	s6 =	sadd.s32 @!p0 $0x88, s6;
	s7 =	simm.s32 @p2 $0x1082  }
0x22: {  	[simem:s7], [sflag:s8] =	dma.local @!p0 [hbm:s6], $0xF7A  }
0x23: {  	s9 =	sor.u32 $0xD0000000, s2;
	s6 =	simm.s32 $0x108;
	_ =	swait.ge @!p0 [sflag:s8], $0x0  }
0x24: {  	s3 =	sadd.s32 $0x88, s3;
	s6 =	simm.s32 @!p1 $0x1082;
	[sflag:s4] =	ssyncset.s32 $0xFFFFF086  }
0x25: {  	[simem:s6], [sflag:s4] =	dma.local [hbm:s3], $0xF7A  }
0x26: {  	[smem:$0x3F90] =	sst s1;
	(tag) =	ssettag s2;
	_ =	strace s9  }
0x27: {  	s1 =	sld [smem:$0x3FA0]  }
0x28: {  	s2 =	sld [smem:$0x3FA1]  }
0x29: {  	s4 =	sld [smem:$0x3FA3]  }
0x2a: {  	p0 =	seq.s32 s5, $0x0;
	s5 =	sld [smem:$0x3FA4]  }
0x2b: {  	s6 =	sld [smem:$0x3FA5]  }
0x2c: {  	s7 =	sld [smem:$0x3FA6]  }
0x2d: {  	s3 =	simm.s32 $0x108;
	s8 =	sld [smem:$0x3FA7]  }
0x2e: {  	s3 =	simm.s32 @!p0 $0x1082;
	s9 =	sld [smem:$0x3FA8]  }
0x2f: {  	lr =	sadd.s32 s0, s3;
	s0 =	sld [smem:$0x3F9F]  }
0x30: {  	s3 =	sld [smem:$0x3FA2]  }
0x31: {  	[smem:$0x3FAB] =	sst s10  }
0x32: {  	s10 =	sld [smem:$0x3FA9];
	_ =	sdelay $0x3  }
0x33: {  	p0 =	seq.s32 s10, $0x1;
	s10 =	sld [smem:$0x3FAB];
	_ =	sdelay $0x3  }
0x34: {  	[smem:$0x3FAB] =	sst s10  }
0x35: {  	s10 =	sld [smem:$0x3FAA];
	_ =	sdelay $0x3  }
0x36: {  	p1 =	seq.s32 s10, $0x1;
	s10 =	sld [smem:$0x3FAB];
	_ =	sdelay $0x3  }
0x37: {  	[smem:$0x3FAB] =	sst s10  }
0x38: {  	s10 =	sld [smem:$0x3FAC]  }
0x39: {  	_ = 	snop;
	(pc) =	sbr.ind lr, $3  }
0x3a: {  	_ = 	snop  }
0x3b: {  	_ = 	snop  }
0x3c: {  	p2 =	seq.s32 s10, $0x1;
	s10 =	sld [smem:$0x3FAB]  }
0x3d: {  	_ =	shalt  }
0x3e: {  	_ =	shalt  }
0x3f: {  	_ =	shalt  }
0x40: {  	_ =	shalt  }
0x41: {  	_ =	shalt  }
0x42: {  	_ =	shalt  }
0x43: {  	_ =	shalt  }
0x44: {  	_ =	shalt  }
0x45: {  	_ =	shalt  }
0x46: {  	_ =	shalt  }
0x47: {  	_ =	shalt  }
0x48: {  	_ =	shalt  }
0x49: {  	_ =	shalt  }
0x4a: {  	_ =	shalt  }
0x4b: {  	_ =	shalt  }
0x4c: {  	_ =	shalt  }
0x4d: {  	_ =	shalt  }
0x4e: {  	_ =	shalt  }
0x4f: {  	_ =	shalt  }
0x50: {  	_ =	shalt  }
0x51: {  	_ =	shalt  }
0x52: {  	_ =	shalt  }
0x53: {  	_ =	shalt  }
0x54: {  	_ =	shalt  }
0x55: {  	_ =	shalt  }
0x56: {  	_ =	shalt  }
0x57: {  	_ =	shalt  }
0x58: {  	_ =	shalt  }
0x59: {  	_ =	shalt  }
0x5a: {  	_ =	shalt  }
0x5b: {  	_ =	shalt  }
0x5c: {  	_ =	shalt  }
0x5d: {  	_ =	shalt  }
0x5e: {  	_ =	shalt  }
0x5f: {  	_ =	shalt  }
0x60: {  	_ =	shalt  }
0x61: {  	_ =	shalt  }
0x62: {  	_ =	shalt  }
0x63: {  	_ =	shalt  }
0x64: {  	_ =	shalt  }
0x65: {  	_ =	shalt  }
0x66: {  	_ =	shalt  }
0x67: {  	_ =	shalt  }
0x68: {  	_ =	shalt  }
0x69: {  	_ =	shalt  }
0x6a: {  	_ =	shalt  }
0x6b: {  	_ =	shalt  }
0x6c: {  	_ =	shalt  }
0x6d: {  	_ =	shalt  }
0x6e: {  	_ =	shalt  }
0x6f: {  	_ =	shalt  }
0x70: {  	_ =	shalt  }
0x71: {  	_ =	shalt  }
0x72: {  	_ =	shalt  }
0x73: {  	_ =	shalt  }
0x74: {  	_ =	shalt  }
0x75: {  	_ =	shalt  }
0x76: {  	_ =	shalt  }
0x77: {  	_ =	shalt  }
0x78: {  	_ =	shalt  }
0x79: {  	_ =	shalt  }
0x7a: {  	_ =	shalt  }
0x7b: {  	_ =	shalt  }
0x7c: {  	_ =	shalt  }
0x7d: {  	_ =	shalt  }
0x7e: {  	_ =	shalt  }
0x7f: {  	_ =	shalt  }
0x80: {  	_ =	shalt  }
0x81: {  	_ =	shalt  }
0x82: {  	_ =	shalt  }
0x83: {  	_ =	shalt  }
0x84: {  	_ =	shalt  }
0x85: {  	_ =	shalt  }
0x86: {  	_ =	shalt  }
0x87: {  	_ =	shalt  }
.Lfunc_end0:
.L_simem_size_0:
called_computation_lowered:
.L_overlay_start_0:
0x88: {  	s2 =	sld [smem:$0x3FD9]  }
0x89: {  	s3 =	sld [smem:$0x3FFE];
	_ =	sdelay $0x1  }
0x8a: {  	s1 =	srdreg.scid  }
0x8b: {  	s0 =	sand.u32 $0x1, s1  }
0x8c: {  	s17 =	sshll.u32 s0, $0xA;
	s2 =	sadd.s32 s3, s2  }
0x8d: {  	s2 =	sadd.s32 s2, s17  }
0x8e: {  	[smem:$0x3FB7] =	sst s2  }
0x8f: {  	_ = 	snop  }
0x90: {  	s2 =	sld [smem:$0x3FC9]  }
0x91: {  	s18 =	sld [smem:$0x3FD0];
	(tm) =	ssettm $0x1  }
0x92: {  	s4 =	sld [smem:$0x3FFB];
	_ =	sdelay $0x3  }
0x93: {  	_ =	strace s4  }
0x94: {  	s4 =	sld [smem:$0x3FFC];
	_ =	sdelay $0x3  }
0x95: {  	_ =	strace s4  }
0x96: {  	s4 =	sld [smem:$0x3FFD];
	_ =	sdelay $0x3  }
0x97: {  	_ =	strace s4  }
0x98: {  	_ =	strace $0x8FFFFFFF  }
0x99: {  	s19 =	sld [smem:$0x3FDB];
	_ =	sdelay $0x1  }
0x9a: {  	s5 =	simm.s32 $_scs_section_size  }
0x9b: {  	s6 =	simm.s32 $_size__tile_overlayer_lowered;
	s7 =	simm.s32 $_tile_overlayer_lowered  }
0x9c: {  	s22 =	simm.s32 $0x1BFF;
	s21 =	sshll.u32 s7, $0x1;
	s4 =	sadd.s32 s5, s19  }
0x9d: {  	s8 =	simm.s32 $0x0;
	s20 =	sshll.u32 s6, $0x1;
	s6 =	sadd.s32 s21, s4  }
0x9e: {  	[timem:s8], [sflag:s22] =	dma.local [hbm:s6], s20  }
0x9f: {  	_ =	swait.ge [sflag:s22], s20  }
0xa0: {  	s5 =	ssub.s32 $0x0, s20;
	[sflag:s22] =	ssyncset.done $0x0  }
0xa1: {  	[sflag:s22] =	ssyncadd.s32 s5;
	_ =	sdelay $0x1  }
0xa2: {  	s23 =	simm.s32 $0x1B8B  }
0xa3: {  	_ =	swait.ge [sflag:s23], $0x1  }
0xa4: {  	[sflag:s23] =	ssyncset.done $0x0  }
0xa5: {  	s25 =	simm.s32 $0x1B8E;
	s24 =	sld [smem:$0x3FFE];
	[sflag:s23] =	ssyncadd.s32 $0xFFFFFFFF  }
0xa6: {  	s26 =	simm.s32 $execute0_lowered;
	[smem:$0x3FD2] =	sst s25  }
0xa7: {  	s6 =	sshll.u32 s26, $0x1;
	_ =	strace $0x80000046;
	[dreg:$0x1] =	wrdreg $0xFFFFFFFF  }
0xa8: {  	s28 =	simm.s32 $_size_execute0_lowered;
	s4 =	sadd.s32 s4, s6;
	[dreg:$0x0] =	wrdreg $0x0  }
0xa9: {  	s6 =	sshll.u32 s28, $0x1;
	[dreg:$0x2] =	wrdreg s4  }
0xaa: {  	[dreg:$0x3] =	wrdreg s6  }
0xab: {  	[dreg:$0x4] =	wrdreg $0xC0  }
0xac: {  	_ =	task [dreg:s8], $0x5FFFF  }
0xad: {  	[dreg:$0x1] =	wrdreg $0xFFFFFFFF  }
0xae: {  	[dreg:$0x0] =	wrdreg $0x60  }
0xaf: {  	[dreg:$0x2] =	wrdreg s2  }
0xb0: {  	[dreg:$0x3] =	wrdreg s18  }
0xb1: {  	[dreg:$0x4] =	wrdreg s24  }
0xb2: {  	[dreg:$0x5] =	wrdreg $0x41000  }
0xb3: {  	[dreg:$0x6] =	wrdreg $0x9  }
0xb4: {  	_ =	task.clear_ibuf [dreg:s8], $0x7FFFF;
	_ =	strace $0x90000046  }
0xb5: {  	s29 =	simm.s32 $0x9;
	_ =	strace $0x80000048  }
0xb6: {  	_ =	swait.ge [sflag:s29], $0x1  }
0xb7: {  	[sflag:s29] =	ssyncadd.s32 $0xFFFFFFFF  }
0xb8: {  	_ =	strace $0x90000048  }
0xb9: {  	_ =	sfence  }
0xba: {  	s30 =	sld [smem:$0x0];
	_ =	sdelay $0x2  }
0xbb: {  	s31 =	sshll.u32 s1, $0xD;
	s1 =	sshrl.u32 s1, $0x2  }
0xbc: {  	s3 =	sand.u32 $0x4000, s31;
	s1 =	sadd.s32 s1, s30  }
0xbd: {  	s0 =	sor.u32 s3, s0;
	s1 =	sshll.u32 s1, $0x11  }
0xbe: {  	s0 =	sor.u32 s1, s0  }
0xbf: {  	s0 =	sadd.s32 $0x8F2B, s0  }
0xc0: {  	[sflag:s0] =	ssyncadd.remote.s32 $0x1  }
0xc1: {  	_ =	sfence.sel $0xFFFF  }
0xc2: {  	[dreg:$0x0] =	wrdreg $0xFFFFFFFF;
	(pc) =	sbr.abs _section_cstart, $3  }
0xc3: {  	[dreg:$0x1] =	wrdreg $0xFFFFFFFF  }
0xc4: {  	_ =	task.clear_ibuf [dreg:s8], $0x2FFFF;
	_ =	strace $0x9FFFFFFF  }
0xc5: {  	(tm) =	ssettm $0x7FFFFFFF  }
tec
execute0_lowered:
.L_overlay_start_1:
0x0: {  	(tag) =	ssettag $0x1  }
0x1: {  	s1 =	rddreg [dreg:$0x0]  }
0x2: {  	s9 =	rddreg [dreg:$0x1]  }
0x3: {  	s6 =	rddreg [dreg:$0x2];
	s3 =	srdreg.scid  }
0x4: {  	s2 =	rddreg [dreg:$0x3];
	s5 =	sand.u32 $0x1, s3  }
0x5: {  	s3 =	stileid.u32;
	s7 =	smul.u32 $0x140000, s5  }
0x6: {  	s0 =	rddreg [dreg:$0x4];
	s4 =	simm.s32 $0x0;
	s8 =	smul.u32 $0x14000, s3  }
0x7: {  	s14 =	simm.s32 $0x1;
	[smem:$0x7FF] =	sst s4;
	s10 =	smul.u32 $0x50000, s3  }
0x8: {  	s15 =	simm.s32 $0x0;
	_ =	strace $0x80000047;
	s11 =	smul.u32 $0x4F000, s5  }
0x9: {  	s26 =	ssub.s32 $0x2, s5;
	s13 =	smul.u32 $0x4F00, s3;
	s5 =	sadd.s32 $0x2600, s6  }
0xa: {  	s29 =	sshll.u32 s3, $0x6;
	s12 =	sshrl.u32 s26, $0x1;
	s7 =	sadd.s32 s8, s7  }
0xb: {  	s8 =	ssub.s32 s26, s12;
	s28 =	sshrl.u32 s10, $0x2;
	s11 =	sadd.s32 s13, s11  }
0xc: {  	s12 =	simm.s32 $0x80;
	s13 =	simm.s32 $0x100;
	s7 =	sshrl.u32 s7, $0x3  }
0xd: {  	s30 =	sadd.s32 s28, s2;
	s31 =	sshrl.u32 s11, $0x3;
	s8 =	smax.u32 s8, $0x1  }
0xe: {  	s11 =	simm.s32 $0x2;
	s7 =	sadd.s32 s7, s6;
	s6 =	sor.u32 $0x1C02, s29  }
0xf: {  	s9 =	sadd.s32 s31, s9;
	s10 =	sshrl.u32 s30, $0x3;
	s7 =	sadd.s32 $0x4E00, s7  }
.LBB2_1:
0x10: {  	[spmem:s10], [sflag:s6] =	dma.local [hbm:s5], $0x2800  }
0x11: {  	_ =	swait.ge [sflag:s11], $0x2800  }
0x12: {  	[sflag:s11] =	ssyncset.done $0x0  }
0x13: {  	[sflag:s11] =	ssyncadd.s32 $0xFFFFD800  }
0x14: {  	s16 =	sadd.s32 $0x0, s9;
	[bflag:$0x0] =	sbarrier.arrive $0xFFFF  }
0x15: {  	[tilespmem:s4], [sflag:$0x2] =	stream.linear.gather [hbm4b:s16+s4], $0x100, $0x38;
	[tilespmem:$0x18100] =	vst v63  }
0x16: {  	_ =	swait.ge [sflag:s11], $0x100  }
0x17: {  	[sflag:s11] =	ssyncset.done $0x0  }
0x18: {  	[sflag:s11] =	ssyncadd.s32 $0xFFFFFF00  }
0x19: {  	[tilespmem:s13], [sflag:$0x1] =	stream.indirect.gather [hbm4b:s1+s12], $0x80, s4, s12, $0xb8;
	[tilespmem:$0x18100] =	vst v63  }
0x1a: {  	_ =	swait.ge [sflag:s14], $0x4000  }
0x1b: {  	[sflag:s14] =	ssyncset.done $0x0  }
0x1c: {  	[sflag:s14] =	ssyncadd.s32 $0xFFFFC000  }
0x1d: {  	[spmem:s2] =	stream.indirect.scatter.add.f32 [tilespmem:s13], [sflag:$0x2], $0x80, s12, s12, $0xb8;
	[tilespmem:$0x18100] =	vst v63  }
0x1e: {  	_ =	swait.ge [sflag:s11], $0x4000  }
0x1f: {  	s17 =	simm.s32 $0x40;
	s16 =	simm.s32 $0x20;
	[sflag:s11] =	ssyncset.done $0x0  }
.LBB2_2:
0x20: {  	s18 =	sadd.s32 s16, s9  }
0x21: {  	[sflag:s11] =	ssyncadd.s32 $0xFFFFC000;
	s16 =	smov.u32 s17;
	s19 =	sadd.s32 $0x20, s17  }
0x22: {  	[tilespmem:s4], [sflag:$0x2] =	stream.linear.gather [hbm4b:s18+s4], $0x100, $0x38;
	[tilespmem:$0x18100] =	vst v63  }
0x23: {  	p0 =	sne.s32 s17, $0x9C0;
	_ =	swait.ge [sflag:s11], $0x100  }
0x24: {  	[sflag:s11] =	ssyncset.done $0x0  }
0x25: {  	[sflag:s11] =	ssyncadd.s32 $0xFFFFFF00  }
0x26: {  	[tilespmem:s13], [sflag:$0x1] =	stream.indirect.gather [hbm4b:s1+s12], $0x80, s4, s12, $0xb8;
	[tilespmem:$0x18100] =	vst v63  }
0x27: {  	_ =	swait.ge [sflag:s14], $0x4000  }
.Ltmp0:
0x28: {  	[sflag:s14] =	ssyncset.done $0x0;
	(pc) =	sbr.rel @p0 .LBB2_2-.Ltmp0, $4  }
0x29: {  	[sflag:s14] =	ssyncadd.s32 $0xFFFFC000  }
0x2a: {  	[spmem:s2] =	stream.indirect.scatter.add.f32 [tilespmem:s13], [sflag:$0x2], $0x80, s12, s12, $0xb8;
	[tilespmem:$0x18100] =	vst v63  }
0x2b: {  	_ =	swait.ge [sflag:s11], $0x4000  }
0x2c: {  	s17 =	smov.u32 s19;
	[sflag:s11] =	ssyncset.done $0x0  }
0x2d: {  	s16 =	sadd.s32 s16, s9;
	[sflag:s11] =	ssyncadd.s32 $0xFFFFC000  }
0x2e: {  	[tilespmem:s4], [sflag:$0x2] =	stream.linear.gather [hbm4b:s16+s4], $0x100, $0x38;
	[tilespmem:$0x18100] =	vst v63  }
0x2f: {  	_ =	swait.ge [sflag:s11], $0x100  }
0x30: {  	[sflag:s11] =	ssyncset.done $0x0  }
0x31: {  	[sflag:s11] =	ssyncadd.s32 $0xFFFFFF00  }
0x32: {  	[tilespmem:s13], [sflag:$0x1] =	stream.indirect.gather [hbm4b:s1+s12], $0x80, s4, s12, $0xb8;
	[tilespmem:$0x18100] =	vst v63  }
0x33: {  	_ =	swait.ge [sflag:s14], $0x4000  }
0x34: {  	[sflag:s14] =	ssyncset.done $0x0  }
0x35: {  	[sflag:s14] =	ssyncadd.s32 $0xFFFFC000  }
0x36: {  	[spmem:s2] =	stream.indirect.scatter.add.f32 [tilespmem:s13], [sflag:$0x2], $0x80, s12, s12, $0xb8;
	[tilespmem:$0x18100] =	vst v63  }
0x37: {  	_ =	swait.ge [sflag:s11], $0x4000  }
0x38: {  	s15 =	sadd.s32 $0x1, s15;
	[sflag:s11] =	ssyncset.done $0x0  }
0x39: {  	p0 =	sne.s32 s15, s8;
	[sflag:s11] =	ssyncadd.s32 $0xFFFFC000  }
.Ltmp1:
0x3a: {  	[bflag:$0x0] =	sbarrier.arrive $0xFFFF;
	(pc) =	sbr.rel @p0 .LBB2_1-.Ltmp1, $4  }
0x3b: {  	[hbm:s7], [sflag:s6] =	dma.local [spmem:s10], $0x2800  }
0x3c: {  	_ =	swait.ge [sflag:s11], $0x2800  }
0x3d: {  	[sflag:s11] =	ssyncset.done $0x0  }
0x3e: {  	[sflag:s11] =	ssyncadd.s32 $0xFFFFD800  }
0x3f: {  	_ =	sfence.sel $0x180000  }
0x40: {  	[bflag:$0x0] =	sbarrier.arrive $0xFFFF  }
0x41: {  	p0 =	sne.s32 s3, $0x0;
	_ =	strace $0x90000047  }
0x42: {  	s0 =	sadd.s32 @!p0 $0x100000, s0;
	[bflag:$0x2] =	sbarrier.arrive $0xFFFF  }
0x43: {  	[sflag:s0] =	ssyncadd.tile.s32 @!p0 $0x1;
	_ =	shalt  }
.Lfunc_end2:
_tile_overlayer_lowered:
.L_overlay_start_2:
0x44: {  	(tag) =	ssettag $0x2  }
0x45: {  	s0 =	rddreg [dreg:$0x0];
	s2 =	stileid.u32  }
0x46: {  	s1 =	rddreg [dreg:$0x1];
	p0 =	sne.s32 s2, $0x0  }
0x47: {  	s3 =	rddreg [dreg:$0x2];
	[bflag:$0x3] =	sbarrier.arrive $0xFFFF;
	s2 =	simm.s32 @!p0 $0x1C02  }
0x48: {  	[timem:s3], [sflag:s2] =	dma.local @!p0 [hbm:s0], s1  }
0x49: {  	s0 =	simm.s32 @!p0 $0x2  }
0x4a: {  	_ =	swait.ge @!p0 [sflag:s0], s1  }
0x4b: {  	s1 =	ssub.s32 @!p0 $0x0, s1;
	[sflag:s0] =	ssyncset.done @!p0 $0x0  }
0x4c: {  	[sflag:s0] =	ssyncadd.s32 @!p0 s1  }
0x4d: {  	[bflag:$0x3] =	sbarrier.arrive $0xFFFF  }
0x4e: {  	_ =	shalt  }

</sc_bundles>
